<compile_context>
chip_gen: v7x
topology: tpu7x:2x2x1
jax: 0.10.2.dev20260603
libtpu: 0.0.44.dev20260713+nightly
codegen_flags: <defaults>
</compile_context>

<pallas_src>
import jax
import jax.numpy as jnp
from jax import lax
from jax.experimental import pallas as pl
from jax.experimental.pallas import tpu as pltpu
from jax.experimental.pallas import tpu_sc as plsc

NB = 4096
T = 50
B = NB * T
D = 128
NC, NS = 2, 16
NW = NC * NS
BPW = B // NW
CHUNK = 200
NBUF = 2
NCHUNK = BPW // CHUNK
NGROUP = NCHUNK // NBUF


def _gather_body(table_hbm, idx_hbm, out_hbm, table_sp, idx_v, rows0, rows1,
                 gsem, ssem0, ssem1):
    rows = (rows0, rows1)
    ssem = (ssem0, ssem1)
    sid = lax.axis_index("s")
    wid = sid * NC + lax.axis_index("c")
    base = wid * BPW

    rows_per_tile = 1024 // NS
    pltpu.sync_copy(table_hbm.at[pl.ds(sid * rows_per_tile, rows_per_tile)],
                    table_sp.at[pl.ds(sid * rows_per_tile, rows_per_tile)])
    pltpu.sync_copy(idx_hbm.at[pl.ds(base, BPW)], idx_v)
    plsc.subcore_barrier()

    def gather(c, b):
        return pltpu.make_async_copy(
            table_sp.at[idx_v.at[pl.ds(c * CHUNK, CHUNK)]], rows[b], gsem)

    def scatter(c, b):
        return pltpu.make_async_copy(
            rows[b], out_hbm.at[pl.ds(base + c * CHUNK, CHUNK)], ssem[b])

    gather(0, 0).start()

    @pl.loop(0, NGROUP)
    def _grp(g):
        c0 = g * NBUF
        gather(c0, 0).wait()
        scatter(c0, 0).start()

        @pl.when(g > 0)
        def _():
            scatter(c0 - 1, 1).wait()

        gather(c0 + 1, 1).start()
        gather(c0 + 1, 1).wait()
        scatter(c0 + 1, 1).start()
        scatter(c0, 0).wait()

        @pl.when(g < NGROUP - 1)
        def _():
            gather(c0 + 2, 0).start()

    scatter(NCHUNK - 1, 1).wait()


@jax.jit
def _sc_gather(tmp_enc, tidx):
    mesh = plsc.VectorSubcoreMesh(core_axis_name="c", subcore_axis_name="s")
    return pl.kernel(
        _gather_body,
        out_type=jax.ShapeDtypeStruct((B, D), jnp.float32),
        mesh=mesh,
        scratch_types=[
            pltpu.VMEM_SHARED((1024, D), jnp.float32),
            pltpu.VMEM((BPW,), jnp.int32),
            pltpu.VMEM((CHUNK, D), jnp.float32),
            pltpu.VMEM((CHUNK, D), jnp.float32),
            pltpu.SemaphoreType.DMA,
            pltpu.SemaphoreType.DMA,
            pltpu.SemaphoreType.DMA,
        ],
    )(tmp_enc, tidx)


def kernel(time, tmp_enc):
    tidx = time.T.reshape(-1).astype(jnp.int32)
    out = _sc_gather(tmp_enc, tidx)
    return out.reshape(T, NB, D).transpose(1, 0, 2)

# --- scband reference (transcript-rebuilt; emitter-appended) ---
"""Pipeline reference for scband-temporal-encoder-66614942761232 (READ-ONLY COPY).

The authoritative reference and input builder live on the scoring server;
editing this copy changes nothing except your own understanding.
"""

import jax, jax.numpy as jnp
import numpy as np

EMBED_SIZE = 128
MIN_FREQ = 0.0001
MAX_SEQ_LEN = 1024


def build_tmp_enc():
    position = jnp.arange(MAX_SEQ_LEN, dtype=jnp.float32)
    idx = jnp.arange(EMBED_SIZE)
    freqs = MIN_FREQ ** (2.0 * (idx // 2).astype(jnp.float32) / EMBED_SIZE)
    tmp = position.reshape(-1, 1) * freqs.reshape(1, -1)
    even_mask = (idx % 2 == 0).reshape(1, -1)
    tmp_enc = jnp.where(even_mask, jnp.cos(tmp), jnp.sin(tmp))
    return tmp_enc.astype(jnp.float32)


def setup_inputs(seed: int = 0) -> dict:
    key = jax.random.key(seed)
    k1, _ = jax.random.split(key)
    time = jax.random.randint(k1, (4096, 50), 0, MAX_SEQ_LEN, dtype=jnp.int64 if jax.config.jax_enable_x64 else jnp.int32)
    tmp_enc = build_tmp_enc()
    return {"time": time, "tmp_enc": tmp_enc}


def reference(time, tmp_enc):
    # x = self.tmp_enc[time, :]  -- pure gather / embedding lookup
    x = jnp.take(tmp_enc, time, axis=0)
    return x

if __name__ == "__main__":
    import jax
    _d = setup_inputs()
    print(jax.jit(kernel)(*tuple(_d.values())))

</pallas_src>

<mosaic_0001>
#map = affine_map<(d0, d1) -> (0, 0)>
#map1 = affine_map<(d0, d1) -> (0)>
module attributes {stable_mosaic.version = 14 : i64} {
  func.func @_gather_body(%arg0: i32, %arg1: i32, %arg2: memref<1024x128xf32, #tpu.memory_space<hbm>>, %arg3: memref<204800xi32, #tpu.memory_space<hbm>>, %arg4: memref<204800x128xf32, #tpu.memory_space<hbm>>, %arg5: memref<1024x128xf32, #tpu.memory_space<vmem_shared>>, %arg6: memref<6400xi32, #tpu.memory_space<vmem>>, %arg7: memref<200x128xf32, #tpu.memory_space<vmem>>, %arg8: memref<200x128xf32, #tpu.memory_space<vmem>>, %arg9: memref<!tpu.dma_semaphore, #tpu.memory_space<semaphore_mem>>, %arg10: memref<!tpu.dma_semaphore, #tpu.memory_space<semaphore_mem>>, %arg11: memref<!tpu.dma_semaphore, #tpu.memory_space<semaphore_mem>>) attributes {dimension_semantics = [#tpu.dimension_semantics<core_parallel>, #tpu.dimension_semantics<subcore_parallel>], iteration_bounds = array<i64: 2, 16>, scalar_prefetch = 0 : i64, scratch_operands = 7 : i64, tpu.core_type = #tpu.core_type<sc_vector_subcore>, window_params = [{transform_indices = #map}, {transform_indices = #map1}, {transform_indices = #map}]} {
    %mul3A = arith.constant 2 : i32
    %mul3A_0 = arith.muli %arg1, %mul3A : i32
    %add3A = arith.addi %mul3A_0, %arg0 : i32
    %mul3A_1 = arith.constant 6400 : i32
    %mul3A_2 = arith.muli %add3A, %mul3A_1 : i32
    %mul3A_3 = arith.constant 64 : i32
    %mul3A_4 = arith.muli %arg1, %mul3A_3 : i32
    %mul3A_5 = arith.constant 64 : i32
    %mul3A_6 = arith.muli %arg1, %mul3A_5 : i32
    "tpu.region"() ({
      %run_scoped3A = tpu.sem_alloc : memref<!tpu.dma_semaphore, #tpu.memory_space<semaphore_mem>>
      %dma_start3A_20 = arith.constant 0 : i32
      %dma_start3A_21 = tpu.memref_slice %arg5[%mul3A_6, %dma_start3A_20] : memref<1024x128xf32, #tpu.memory_space<vmem_shared>> -> memref<64x128xf32, #tpu.memory_space<vmem_shared>>
      %dma_start3A_22 = arith.constant 0 : i32
      %dma_start3A_23 = tpu.memref_slice %arg2[%mul3A_4, %dma_start3A_22] : memref<1024x128xf32, #tpu.memory_space<hbm>> -> memref<64x128xf32, #tpu.memory_space<hbm>>
      tpu.enqueue_dma source(%dma_start3A_23 : memref<64x128xf32, #tpu.memory_space<hbm>>) target(%dma_start3A_21 : memref<64x128xf32, #tpu.memory_space<vmem_shared>>) target_semaphore(%run_scoped3A : memref<!tpu.dma_semaphore, #tpu.memory_space<semaphore_mem>>)
      %dma_wait3A_24 = arith.constant 0 : i32
      %dma_wait3A_25 = tpu.memref_slice %arg5[%mul3A_6, %dma_wait3A_24] : memref<1024x128xf32, #tpu.memory_space<vmem_shared>> -> memref<64x128xf32, #tpu.memory_space<vmem_shared>>
      %dma_wait3A_26 = arith.constant 0 : i32
      %dma_wait3A_27 = tpu.memref_slice %arg2[%mul3A_4, %dma_wait3A_26] : memref<1024x128xf32, #tpu.memory_space<hbm>> -> memref<64x128xf32, #tpu.memory_space<hbm>>
      tpu.wait_dma2 semaphore(%run_scoped3A : memref<!tpu.dma_semaphore, #tpu.memory_space<semaphore_mem>>) src(%dma_wait3A_27 : memref<64x128xf32, #tpu.memory_space<hbm>>) dst(%dma_wait3A_25 : memref<64x128xf32, #tpu.memory_space<vmem_shared>>)
      tpu.yield
    }) : () -> ()
    "tpu.region"() ({
      %run_scoped3A = tpu.sem_alloc : memref<!tpu.dma_semaphore, #tpu.memory_space<semaphore_mem>>
      %dma_start3A_20 = tpu.memref_slice %arg3[%mul3A_2] : memref<204800xi32, #tpu.memory_space<hbm>> -> memref<6400xi32, #tpu.memory_space<hbm>>
      %dma_start3A_21 = tpu.memref_slice %arg3[%mul3A_2] : memref<204800xi32, #tpu.memory_space<hbm>> -> memref<6400xi32, #tpu.memory_space<hbm>>
      tpu.enqueue_dma source(%dma_start3A_21 : memref<6400xi32, #tpu.memory_space<hbm>>) target(%arg6 : memref<6400xi32, #tpu.memory_space<vmem>>) target_semaphore(%run_scoped3A : memref<!tpu.dma_semaphore, #tpu.memory_space<semaphore_mem>>)
      %dma_wait3A_22 = tpu.memref_slice %arg3[%mul3A_2] : memref<204800xi32, #tpu.memory_space<hbm>> -> memref<6400xi32, #tpu.memory_space<hbm>>
      %dma_wait3A_23 = tpu.memref_slice %arg3[%mul3A_2] : memref<204800xi32, #tpu.memory_space<hbm>> -> memref<6400xi32, #tpu.memory_space<hbm>>
      tpu.wait_dma2 semaphore(%run_scoped3A : memref<!tpu.dma_semaphore, #tpu.memory_space<semaphore_mem>>) src(%dma_wait3A_23 : memref<6400xi32, #tpu.memory_space<hbm>>) dst(%arg6 : memref<6400xi32, #tpu.memory_space<vmem>>)
      tpu.yield
    }) : () -> ()
    %barrier3A = arith.constant 0 : index
    tpu.barrier barrier_id(%barrier3A)
    %dma_start3A = arith.constant 0 : i32
    %dma_start3A_7 = tpu.memref_slice %arg6[%dma_start3A] : memref<6400xi32, #tpu.memory_space<vmem>> -> memref<200xi32, #tpu.memory_space<vmem>>
    %dma_start3A_8 = arith.constant 0 : i32
    %dma_start3A_9 = arith.constant 0 : i32
    %dma_start3A_10 = tpu.memref_slice %arg5[%dma_start3A_8, %dma_start3A_9] : memref<1024x128xf32, #tpu.memory_space<vmem_shared>> -> memref<1024x128xf32, #tpu.memory_space<vmem_shared>>
    tpu.enqueue_indirect_dma source(%dma_start3A_10 : memref<1024x128xf32, #tpu.memory_space<vmem_shared>>) target(%arg7 : memref<200x128xf32, #tpu.memory_space<vmem>>) offsets(%dma_start3A_7 : memref<200xi32, #tpu.memory_space<vmem>>) semaphore(%arg9 : memref<!tpu.dma_semaphore, #tpu.memory_space<semaphore_mem>>)
    %scan3A = arith.constant 0 : i32
    %scan3A_11 = arith.constant 16 : i32
    %scan3A_12 = arith.addi %scan3A, %scan3A_11 : i32
    %scan3A_13 = arith.constant 1 : i32
    scf.for %scan3A_20 = %scan3A to %scan3A_12 step %scan3A_13  : i32 {
      %mul3A_21 = arith.constant 1 : i32
      %mul3A_22 = arith.muli %scan3A_20, %mul3A_21 : i32
      %add3A_23 = arith.constant 0 : i32
      %add3A_24 = arith.addi %add3A_23, %mul3A_22 : i32
      %mul3A_25 = arith.constant 2 : i32
      %mul3A_26 = arith.muli %add3A_24, %mul3A_25 : i32
      %mul3A_27 = arith.constant 200 : i32
      %mul3A_28 = arith.muli %mul3A_26, %mul3A_27 : i32
      %dma_wait3A_29 = tpu.memref_slice %arg6[%mul3A_28] : memref<6400xi32, #tpu.memory_space<vmem>> -> memref<200xi32, #tpu.memory_space<vmem>>
      %dma_wait3A_30 = arith.constant 0 : i32
      %dma_wait3A_31 = arith.constant 0 : i32
      %dma_wait3A_32 = tpu.memref_slice %arg5[%dma_wait3A_30, %dma_wait3A_31] : memref<1024x128xf32, #tpu.memory_space<vmem_shared>> -> memref<1024x128xf32, #tpu.memory_space<vmem_shared>>
      tpu.wait_indirect_dma semaphore(%arg9 : memref<!tpu.dma_semaphore, #tpu.memory_space<semaphore_mem>>) src(%dma_wait3A_32 : memref<1024x128xf32, #tpu.memory_space<vmem_shared>>) dst(%arg7 : memref<200x128xf32, #tpu.memory_space<vmem>>)
      %mul3A_33 = arith.constant 200 : i32
      %mul3A_34 = arith.muli %mul3A_26, %mul3A_33 : i32
      %add3A_35 = arith.addi %mul3A_2, %mul3A_34 : i32
      %dma_start3A_36 = arith.constant 0 : i32
      %dma_start3A_37 = tpu.memref_slice %arg4[%add3A_35, %dma_start3A_36] : memref<204800x128xf32, #tpu.memory_space<hbm>> -> memref<200x128xf32, #tpu.memory_space<hbm>>
      %dma_start3A_38 = arith.constant 0 : i32
      %dma_start3A_39 = tpu.memref_slice %arg4[%add3A_35, %dma_start3A_38] : memref<204800x128xf32, #tpu.memory_space<hbm>> -> memref<200x128xf32, #tpu.memory_space<hbm>>
      tpu.enqueue_dma source(%arg7 : memref<200x128xf32, #tpu.memory_space<vmem>>) target(%dma_start3A_39 : memref<200x128xf32, #tpu.memory_space<hbm>>) target_semaphore(%arg10 : memref<!tpu.dma_semaphore, #tpu.memory_space<semaphore_mem>>)
      %gt3A = arith.constant 0 : i32
      %gt3A_40 = arith.cmpi sgt, %add3A_24, %gt3A : i32
      %convert_element_type3A = arith.extui %gt3A_40 : i1 to i32
      %cond3A = arith.constant 0 : i32
      %cond3A_41 = arith.cmpi ne, %convert_element_type3A, %cond3A : i32
      scf.if %cond3A_41 {
        %sub3A = arith.constant 1 : i32
        %sub3A_78 = arith.subi %mul3A_26, %sub3A : i32
        %mul3A_79 = arith.constant 200 : i32
        %mul3A_80 = arith.muli %sub3A_78, %mul3A_79 : i32
        %add3A_81 = arith.addi %mul3A_2, %mul3A_80 : i32
        %dma_wait3A_82 = arith.constant 0 : i32
        %dma_wait3A_83 = tpu.memref_slice %arg4[%add3A_81, %dma_wait3A_82] : memref<204800x128xf32, #tpu.memory_space<hbm>> -> memref<200x128xf32, #tpu.memory_space<hbm>>
        %dma_wait3A_84 = arith.constant 0 : i32
        %dma_wait3A_85 = tpu.memref_slice %arg4[%add3A_81, %dma_wait3A_84] : memref<204800x128xf32, #tpu.memory_space<hbm>> -> memref<200x128xf32, #tpu.memory_space<hbm>>
        tpu.wait_dma2 semaphore(%arg11 : memref<!tpu.dma_semaphore, #tpu.memory_space<semaphore_mem>>) src(%arg8 : memref<200x128xf32, #tpu.memory_space<vmem>>) dst(%dma_wait3A_85 : memref<200x128xf32, #tpu.memory_space<hbm>>)
      } else {
      }
      %add3A_42 = arith.constant 1 : i32
      %add3A_43 = arith.addi %mul3A_26, %add3A_42 : i32
      %mul3A_44 = arith.constant 200 : i32
      %mul3A_45 = arith.muli %add3A_43, %mul3A_44 : i32
      %dma_start3A_46 = tpu.memref_slice %arg6[%mul3A_45] : memref<6400xi32, #tpu.memory_space<vmem>> -> memref<200xi32, #tpu.memory_space<vmem>>
      %dma_start3A_47 = arith.constant 0 : i32
      %dma_start3A_48 = arith.constant 0 : i32
      %dma_start3A_49 = tpu.memref_slice %arg5[%dma_start3A_47, %dma_start3A_48] : memref<1024x128xf32, #tpu.memory_space<vmem_shared>> -> memref<1024x128xf32, #tpu.memory_space<vmem_shared>>
      tpu.enqueue_indirect_dma source(%dma_start3A_49 : memref<1024x128xf32, #tpu.memory_space<vmem_shared>>) target(%arg8 : memref<200x128xf32, #tpu.memory_space<vmem>>) offsets(%dma_start3A_46 : memref<200xi32, #tpu.memory_space<vmem>>) semaphore(%arg9 : memref<!tpu.dma_semaphore, #tpu.memory_space<semaphore_mem>>)
      %add3A_50 = arith.constant 1 : i32
      %add3A_51 = arith.addi %mul3A_26, %add3A_50 : i32
      %mul3A_52 = arith.constant 200 : i32
      %mul3A_53 = arith.muli %add3A_51, %mul3A_52 : i32
      %dma_wait3A_54 = tpu.memref_slice %arg6[%mul3A_53] : memref<6400xi32, #tpu.memory_space<vmem>> -> memref<200xi32, #tpu.memory_space<vmem>>
      %dma_wait3A_55 = arith.constant 0 : i32
      %dma_wait3A_56 = arith.constant 0 : i32
      %dma_wait3A_57 = tpu.memref_slice %arg5[%dma_wait3A_55, %dma_wait3A_56] : memref<1024x128xf32, #tpu.memory_space<vmem_shared>> -> memref<1024x128xf32, #tpu.memory_space<vmem_shared>>
      tpu.wait_indirect_dma semaphore(%arg9 : memref<!tpu.dma_semaphore, #tpu.memory_space<semaphore_mem>>) src(%dma_wait3A_57 : memref<1024x128xf32, #tpu.memory_space<vmem_shared>>) dst(%arg8 : memref<200x128xf32, #tpu.memory_space<vmem>>)
      %add3A_58 = arith.constant 1 : i32
      %add3A_59 = arith.addi %mul3A_26, %add3A_58 : i32
      %mul3A_60 = arith.constant 200 : i32
      %mul3A_61 = arith.muli %add3A_59, %mul3A_60 : i32
      %add3A_62 = arith.addi %mul3A_2, %mul3A_61 : i32
      %dma_start3A_63 = arith.constant 0 : i32
      %dma_start3A_64 = tpu.memref_slice %arg4[%add3A_62, %dma_start3A_63] : memref<204800x128xf32, #tpu.memory_space<hbm>> -> memref<200x128xf32, #tpu.memory_space<hbm>>
      %dma_start3A_65 = arith.constant 0 : i32
      %dma_start3A_66 = tpu.memref_slice %arg4[%add3A_62, %dma_start3A_65] : memref<204800x128xf32, #tpu.memory_space<hbm>> -> memref<200x128xf32, #tpu.memory_space<hbm>>
      tpu.enqueue_dma source(%arg8 : memref<200x128xf32, #tpu.memory_space<vmem>>) target(%dma_start3A_66 : memref<200x128xf32, #tpu.memory_space<hbm>>) target_semaphore(%arg11 : memref<!tpu.dma_semaphore, #tpu.memory_space<semaphore_mem>>)
      %mul3A_67 = arith.constant 200 : i32
      %mul3A_68 = arith.muli %mul3A_26, %mul3A_67 : i32
      %add3A_69 = arith.addi %mul3A_2, %mul3A_68 : i32
      %dma_wait3A_70 = arith.constant 0 : i32
      %dma_wait3A_71 = tpu.memref_slice %arg4[%add3A_69, %dma_wait3A_70] : memref<204800x128xf32, #tpu.memory_space<hbm>> -> memref<200x128xf32, #tpu.memory_space<hbm>>
      %dma_wait3A_72 = arith.constant 0 : i32
      %dma_wait3A_73 = tpu.memref_slice %arg4[%add3A_69, %dma_wait3A_72] : memref<204800x128xf32, #tpu.memory_space<hbm>> -> memref<200x128xf32, #tpu.memory_space<hbm>>
      tpu.wait_dma2 semaphore(%arg10 : memref<!tpu.dma_semaphore, #tpu.memory_space<semaphore_mem>>) src(%arg7 : memref<200x128xf32, #tpu.memory_space<vmem>>) dst(%dma_wait3A_73 : memref<200x128xf32, #tpu.memory_space<hbm>>)
      %lt3A = arith.constant 15 : i32
      %lt3A_74 = arith.cmpi slt, %add3A_24, %lt3A : i32
      %convert_element_type3A_75 = arith.extui %lt3A_74 : i1 to i32
      %cond3A_76 = arith.constant 0 : i32
      %cond3A_77 = arith.cmpi ne, %convert_element_type3A_75, %cond3A_76 : i32
      scf.if %cond3A_77 {
        %add3A_78 = arith.constant 2 : i32
        %add3A_79 = arith.addi %mul3A_26, %add3A_78 : i32
        %mul3A_80 = arith.constant 200 : i32
        %mul3A_81 = arith.muli %add3A_79, %mul3A_80 : i32
        %dma_start3A_82 = tpu.memref_slice %arg6[%mul3A_81] : memref<6400xi32, #tpu.memory_space<vmem>> -> memref<200xi32, #tpu.memory_space<vmem>>
        %dma_start3A_83 = arith.constant 0 : i32
        %dma_start3A_84 = arith.constant 0 : i32
        %dma_start3A_85 = tpu.memref_slice %arg5[%dma_start3A_83, %dma_start3A_84] : memref<1024x128xf32, #tpu.memory_space<vmem_shared>> -> memref<1024x128xf32, #tpu.memory_space<vmem_shared>>
        tpu.enqueue_indirect_dma source(%dma_start3A_85 : memref<1024x128xf32, #tpu.memory_space<vmem_shared>>) target(%arg7 : memref<200x128xf32, #tpu.memory_space<vmem>>) offsets(%dma_start3A_82 : memref<200xi32, #tpu.memory_space<vmem>>) semaphore(%arg9 : memref<!tpu.dma_semaphore, #tpu.memory_space<semaphore_mem>>)
      } else {
      }
    }
    %scan3A_14 = arith.constant 16 : i32
    %add3A_15 = arith.constant 6200 : i32
    %add3A_16 = arith.addi %mul3A_2, %add3A_15 : i32
    %dma_wait3A = arith.constant 0 : i32
    %dma_wait3A_17 = tpu.memref_slice %arg4[%add3A_16, %dma_wait3A] : memref<204800x128xf32, #tpu.memory_space<hbm>> -> memref<200x128xf32, #tpu.memory_space<hbm>>
    %dma_wait3A_18 = arith.constant 0 : i32
    %dma_wait3A_19 = tpu.memref_slice %arg4[%add3A_16, %dma_wait3A_18] : memref<204800x128xf32, #tpu.memory_space<hbm>> -> memref<200x128xf32, #tpu.memory_space<hbm>>
    tpu.wait_dma2 semaphore(%arg11 : memref<!tpu.dma_semaphore, #tpu.memory_space<semaphore_mem>>) src(%arg8 : memref<200x128xf32, #tpu.memory_space<vmem>>) dst(%dma_wait3A_19 : memref<200x128xf32, #tpu.memory_space<hbm>>)
    return
  }
}

</mosaic_0001>

<sc_bundles>
// kernel: _sc_gather.3.cloned.1.call-start
scs
__scs_entry_jumppad:
0x0: {  	(pc) =	sbr.rel $0x88, $3  }
0x1: {  	(tag) =	ssettag $0x0;
	lr =	simm.s32 $0x1  }
0x2: {  	[smem:$0x3F9F] =	sst lr;
	_ =	strace $0xD0000000  }
0x3: {  	_ = 	snop  }
0x4: {  	_ = 	snop  }
0x5: {  	_ = 	snop  }
0x6: {  	_ = 	snop  }
0x7: {  	_ = 	snop  }
__scs_overlays_trampoline_lowered:
0x8: {  	[smem:$0x3FAE] =	sst s0  }
0x9: {  	[smem:$0x3FAF] =	sst s1  }
0xa: {  	[smem:$0x3FB0] =	sst s2  }
0xb: {  	[smem:$0x3FB1] =	sst s3  }
0xc: {  	[smem:$0x3FB2] =	sst s4  }
0xd: {  	[smem:$0x3FB3] =	sst s5  }
0xe: {  	[smem:$0x3FB4] =	sst s6  }
0xf: {  	[smem:$0x3FB5] =	sst s7  }
0x10: {  	[smem:$0x3FB6] =	sst s8  }
0x11: {  	[smem:$0x3FB7] =	sst s9;
	s0 =	simm.s32 @!p0 $0x0  }
0x12: {  	s1 =	sld [smem:$0x3F9D];
	s0 =	simm.s32 @p0 $0x1  }
0x13: {  	[smem:$0x3FB8] =	sst s0;
	s0 =	simm.s32 @!p1 $0x0  }
0x14: {  	s2 =	sld [smem:$0x3F9C];
	s0 =	simm.s32 @p1 $0x1  }
0x15: {  	[smem:$0x3FB9] =	sst s0;
	s0 =	simm.s32 @!p2 $0x0  }
0x16: {  	s3 =	sld [smem:$0x3FDB];
	s0 =	simm.s32 @p2 $0x1  }
0x17: {  	s4 =	simm.s32 $0x1BF5;
	[smem:$0x3FBB] =	sst s0  }
0x18: {  	s0 =	sld [smem:$0x3F9E];
	_ =	swait.ge [sflag:s4], $0x0  }
0x19: {  	s7 =	sld [smem:$0x3F9F]  }
0x1a: {  	s8 =	sadd.s32 $0xFFFFE003, lr  }
0x1b: {  	s9 =	sadd.s32 $0xFFFFFEF7, lr;
	s5 =	simm.s32 $0xFFFFFFFF;
	p2 =	slt.u32 s8, $0xFFFFF086  }
0x1c: {  	p1 =	slt.u32 s9, $0xF7A;
	s5 =	simm.s32 @!p2 $0x0  }
0x1d: {  	s5 =	simm.s32 @p1 $0x1;
	p0 =	seq.s32 s7, s2  }
0x1e: {  	s7 =	smul.u32 @!p0 $0xF7A, s2;
	p2 =	seq.s32 @!p0 s5, $0x0  }
0x1f: {  	s9 =	smul.u32 $0xF7A, s1;
	s8 =	simm.s32 @!p0 $0x1BF5;
	p2 =	por !p2, p0  }
0x20: {  	[sflag:s8] =	ssyncset.s32 @!p0 $0xFFFFF086;
	s6 =	sadd.s32 @!p0 s3, s7;
	s7 =	simm.s32 @!p0 $0x108  }
0x21: {  	s3 =	sadd.s32 s3, s9;
	s6 =	sadd.s32 @!p0 $0x88, s6;
	s7 =	simm.s32 @p2 $0x1082  }
0x22: {  	[simem:s7], [sflag:s8] =	dma.local @!p0 [hbm:s6], $0xF7A  }
0x23: {  	s9 =	sor.u32 $0xD0000000, s2;
	s6 =	simm.s32 $0x108;
	_ =	swait.ge @!p0 [sflag:s8], $0x0  }
0x24: {  	s3 =	sadd.s32 $0x88, s3;
	s6 =	simm.s32 @!p1 $0x1082;
	[sflag:s4] =	ssyncset.s32 $0xFFFFF086  }
0x25: {  	[simem:s6], [sflag:s4] =	dma.local [hbm:s3], $0xF7A  }
0x26: {  	[smem:$0x3F9F] =	sst s1;
	(tag) =	ssettag s2;
	_ =	strace s9  }
0x27: {  	s1 =	sld [smem:$0x3FAF]  }
0x28: {  	s2 =	sld [smem:$0x3FB0]  }
0x29: {  	s4 =	sld [smem:$0x3FB2]  }
0x2a: {  	p0 =	seq.s32 s5, $0x0;
	s5 =	sld [smem:$0x3FB3]  }
0x2b: {  	s6 =	sld [smem:$0x3FB4]  }
0x2c: {  	s7 =	sld [smem:$0x3FB5]  }
0x2d: {  	s3 =	simm.s32 $0x108;
	s8 =	sld [smem:$0x3FB6]  }
0x2e: {  	s3 =	simm.s32 @!p0 $0x1082;
	s9 =	sld [smem:$0x3FB7]  }
0x2f: {  	lr =	sadd.s32 s0, s3;
	s0 =	sld [smem:$0x3FAE]  }
0x30: {  	s3 =	sld [smem:$0x3FB1]  }
0x31: {  	[smem:$0x3FBA] =	sst s10  }
0x32: {  	s10 =	sld [smem:$0x3FB8];
	_ =	sdelay $0x3  }
0x33: {  	p0 =	seq.s32 s10, $0x1;
	s10 =	sld [smem:$0x3FBA];
	_ =	sdelay $0x3  }
0x34: {  	[smem:$0x3FBA] =	sst s10  }
0x35: {  	s10 =	sld [smem:$0x3FB9];
	_ =	sdelay $0x3  }
0x36: {  	p1 =	seq.s32 s10, $0x1;
	s10 =	sld [smem:$0x3FBA];
	_ =	sdelay $0x3  }
0x37: {  	[smem:$0x3FBA] =	sst s10  }
0x38: {  	s10 =	sld [smem:$0x3FBB]  }
0x39: {  	_ = 	snop;
	(pc) =	sbr.ind lr, $3  }
0x3a: {  	_ = 	snop  }
0x3b: {  	_ = 	snop  }
0x3c: {  	p2 =	seq.s32 s10, $0x1;
	s10 =	sld [smem:$0x3FBA]  }
0x3d: {  	_ =	shalt  }
0x3e: {  	_ =	shalt  }
0x3f: {  	_ =	shalt  }
0x40: {  	_ =	shalt  }
0x41: {  	_ =	shalt  }
0x42: {  	_ =	shalt  }
0x43: {  	_ =	shalt  }
0x44: {  	_ =	shalt  }
0x45: {  	_ =	shalt  }
0x46: {  	_ =	shalt  }
0x47: {  	_ =	shalt  }
0x48: {  	_ =	shalt  }
0x49: {  	_ =	shalt  }
0x4a: {  	_ =	shalt  }
0x4b: {  	_ =	shalt  }
0x4c: {  	_ =	shalt  }
0x4d: {  	_ =	shalt  }
0x4e: {  	_ =	shalt  }
0x4f: {  	_ =	shalt  }
0x50: {  	_ =	shalt  }
0x51: {  	_ =	shalt  }
0x52: {  	_ =	shalt  }
0x53: {  	_ =	shalt  }
0x54: {  	_ =	shalt  }
0x55: {  	_ =	shalt  }
0x56: {  	_ =	shalt  }
0x57: {  	_ =	shalt  }
0x58: {  	_ =	shalt  }
0x59: {  	_ =	shalt  }
0x5a: {  	_ =	shalt  }
0x5b: {  	_ =	shalt  }
0x5c: {  	_ =	shalt  }
0x5d: {  	_ =	shalt  }
0x5e: {  	_ =	shalt  }
0x5f: {  	_ =	shalt  }
0x60: {  	_ =	shalt  }
0x61: {  	_ =	shalt  }
0x62: {  	_ =	shalt  }
0x63: {  	_ =	shalt  }
0x64: {  	_ =	shalt  }
0x65: {  	_ =	shalt  }
0x66: {  	_ =	shalt  }
0x67: {  	_ =	shalt  }
0x68: {  	_ =	shalt  }
0x69: {  	_ =	shalt  }
0x6a: {  	_ =	shalt  }
0x6b: {  	_ =	shalt  }
0x6c: {  	_ =	shalt  }
0x6d: {  	_ =	shalt  }
0x6e: {  	_ =	shalt  }
0x6f: {  	_ =	shalt  }
0x70: {  	_ =	shalt  }
0x71: {  	_ =	shalt  }
0x72: {  	_ =	shalt  }
0x73: {  	_ =	shalt  }
0x74: {  	_ =	shalt  }
0x75: {  	_ =	shalt  }
0x76: {  	_ =	shalt  }
0x77: {  	_ =	shalt  }
0x78: {  	_ =	shalt  }
0x79: {  	_ =	shalt  }
0x7a: {  	_ =	shalt  }
0x7b: {  	_ =	shalt  }
0x7c: {  	_ =	shalt  }
0x7d: {  	_ =	shalt  }
0x7e: {  	_ =	shalt  }
0x7f: {  	_ =	shalt  }
0x80: {  	_ =	shalt  }
0x81: {  	_ =	shalt  }
0x82: {  	_ =	shalt  }
0x83: {  	_ =	shalt  }
0x84: {  	_ =	shalt  }
0x85: {  	_ =	shalt  }
0x86: {  	_ =	shalt  }
0x87: {  	_ =	shalt  }
.Lfunc_end0:
.L_simem_size_0:
called_computation_lowered:
.L_overlay_start_0:
0x88: {  	s2 =	sld [smem:$0x3FD9]  }
0x89: {  	s3 =	sld [smem:$0x3FFE];
	_ =	sdelay $0x1  }
0x8a: {  	s1 =	srdreg.scid  }
0x8b: {  	s0 =	sand.u32 $0x1, s1  }
0x8c: {  	s18 =	sshll.u32 s0, $0xA;
	s2 =	sadd.s32 s3, s2  }
0x8d: {  	s2 =	sadd.s32 s2, s18  }
0x8e: {  	[smem:$0x3FC6] =	sst s2  }
0x8f: {  	_ = 	snop  }
0x90: {  	s2 =	sld [smem:$0x3FC9]  }
0x91: {  	s19 =	sld [smem:$0x3FC8]  }
0x92: {  	s4 =	sld [smem:$0x3FD0];
	(tm) =	ssettm $0x1  }
0x93: {  	s5 =	sld [smem:$0x3FFB];
	_ =	sdelay $0x3  }
0x94: {  	_ =	strace s5  }
0x95: {  	s5 =	sld [smem:$0x3FFC];
	_ =	sdelay $0x3  }
0x96: {  	_ =	strace s5  }
0x97: {  	s5 =	sld [smem:$0x3FFD];
	_ =	sdelay $0x3  }
0x98: {  	_ =	strace s5  }
0x99: {  	_ =	strace $0x8FFFFFFF  }
0x9a: {  	s20 =	sld [smem:$0x3FDB];
	_ =	sdelay $0x1  }
0x9b: {  	s6 =	simm.s32 $_scs_section_size  }
0x9c: {  	s7 =	simm.s32 $_size__tile_overlayer_lowered;
	s8 =	simm.s32 $_tile_overlayer_lowered  }
0x9d: {  	s23 =	simm.s32 $0x1BFF;
	s22 =	sshll.u32 s8, $0x1;
	s5 =	sadd.s32 s6, s20  }
0x9e: {  	s9 =	simm.s32 $0x0;
	s21 =	sshll.u32 s7, $0x1;
	s7 =	sadd.s32 s22, s5  }
0x9f: {  	[timem:s9], [sflag:s23] =	dma.local [hbm:s7], s21  }
0xa0: {  	_ =	swait.ge [sflag:s23], s21  }
0xa1: {  	s6 =	ssub.s32 $0x0, s21;
	[sflag:s23] =	ssyncset.done $0x0  }
0xa2: {  	[sflag:s23] =	ssyncadd.s32 s6;
	_ =	sdelay $0x1  }
0xa3: {  	s24 =	simm.s32 $0x1B8B  }
0xa4: {  	_ =	swait.ge [sflag:s24], $0x1  }
0xa5: {  	[sflag:s24] =	ssyncset.done $0x0  }
0xa6: {  	s25 =	simm.s32 $0x1B8E;
	[sflag:s24] =	ssyncadd.s32 $0xFFFFFFFF  }
0xa7: {  	s26 =	simm.s32 $execute0_lowered;
	[smem:$0x3FD2] =	sst s25  }
0xa8: {  	s6 =	sshll.u32 s26, $0x1;
	_ =	strace $0x80000046;
	[dreg:$0x1] =	wrdreg $0xFFFFFFFF  }
0xa9: {  	s28 =	simm.s32 $_size_execute0_lowered;
	s5 =	sadd.s32 s5, s6;
	[dreg:$0x0] =	wrdreg $0x0  }
0xaa: {  	s6 =	sshll.u32 s28, $0x1;
	[dreg:$0x2] =	wrdreg s5  }
0xab: {  	[dreg:$0x3] =	wrdreg s6  }
0xac: {  	[dreg:$0x4] =	wrdreg $0xC0  }
0xad: {  	_ =	task [dreg:s9], $0x5FFFF  }
0xae: {  	[dreg:$0x1] =	wrdreg $0xFFFFFFFF  }
0xaf: {  	[dreg:$0x0] =	wrdreg $0x60  }
0xb0: {  	[dreg:$0x2] =	wrdreg s2  }
0xb1: {  	[dreg:$0x3] =	wrdreg s19  }
0xb2: {  	[dreg:$0x4] =	wrdreg s4  }
0xb3: {  	[dreg:$0x5] =	wrdreg $0x0  }
0xb4: {  	[dreg:$0x6] =	wrdreg $0x9  }
0xb5: {  	_ =	task.clear_ibuf [dreg:s9], $0x7FFFF;
	_ =	strace $0x90000046  }
0xb6: {  	s29 =	simm.s32 $0x9;
	_ =	strace $0x80000048  }
0xb7: {  	_ =	swait.ge [sflag:s29], $0x1  }
0xb8: {  	[sflag:s29] =	ssyncadd.s32 $0xFFFFFFFF  }
0xb9: {  	_ =	strace $0x90000048  }
0xba: {  	_ =	sfence  }
0xbb: {  	s30 =	sld [smem:$0x0];
	_ =	sdelay $0x2  }
0xbc: {  	s31 =	sshll.u32 s1, $0xD;
	s1 =	sshrl.u32 s1, $0x2  }
0xbd: {  	s3 =	sand.u32 $0x4000, s31;
	s1 =	sadd.s32 s1, s30  }
0xbe: {  	s0 =	sor.u32 s3, s0;
	s1 =	sshll.u32 s1, $0x11  }
0xbf: {  	s0 =	sor.u32 s1, s0  }
0xc0: {  	s0 =	sadd.s32 $0x8F2B, s0  }
0xc1: {  	[sflag:s0] =	ssyncadd.remote.s32 $0x1  }
0xc2: {  	_ =	sfence.sel $0xFFFF  }
0xc3: {  	[dreg:$0x0] =	wrdreg $0xFFFFFFFF;
	(pc) =	sbr.abs _section_cstart, $3  }
0xc4: {  	[dreg:$0x1] =	wrdreg $0xFFFFFFFF  }
0xc5: {  	_ =	task.clear_ibuf [dreg:s9], $0x2FFFF;
	_ =	strace $0x9FFFFFFF  }
0xc6: {  	(tm) =	ssettm $0x7FFFFFFF  }
0xc7: {  	_ =	shalt  }
tec
execute0_lowered:
.L_overlay_start_1:
0x0: {  	(tag) =	ssettag $0x1  }
0x1: {  	s4 =	rddreg [dreg:$0x0]  }
0x2: {  	s6 =	rddreg [dreg:$0x1]  }
0x3: {  	s7 =	rddreg [dreg:$0x2]  }
0x4: {  	s2 =	rddreg [dreg:$0x3]  }
0x5: {  	s0 =	rddreg [dreg:$0x4]  }
0x6: {  	s5 =	srdreg.scid;
	s1 =	stileid.u32;
	s3 =	simm.s32 $0x0  }
0x7: {  	s15 =	simm.s32 $0x3900;
	s16 =	simm.s32 $0x1;
	s17 =	simm.s32 $0x20C8  }
0x8: {  	s18 =	simm.s32 $0x9D00;
	s19 =	simm.s32 $0x2;
	s20 =	simm.s32 $0x2190  }
0x9: {  	s21 =	simm.s32 $0x3;
	s22 =	simm.s32 $0x0;
	s5 =	sand.u32 $0x1, s5  }
0xa: {  	s8 =	sshll.u32 s1, $0x1;
	[smem:$0x7FF] =	sst s3;
	s25 =	sshll.u32 s1, $0xD  }
0xb: {  	s26 =	sshll.u32 s1, $0xA;
	s13 =	smul.u32 $0x32000, s1;
	s28 =	sshll.u32 s1, $0x6  }
0xc: {  	s9 =	ssub.s32 $0x2, s5;
	s8 =	sor.u32 s5, s8;
	s14 =	smul.u32 $0x19000, s5  }
0xd: {  	_ =	strace $0x80000047;
	s12 =	sadd.s32 s25, s2;
	s11 =	smul.u32 $0x1900, s8  }
0xe: {  	s4 =	sadd.s32 s4, s26;
	s5 =	sor.u32 $0x1C04, s28;
	s8 =	smul.u32 $0x19000, s8  }
.Ltmp0:
0xf: {  	s10 =	sshrl.u32 s9, $0x1;
	s30 =	sadd.s32 s13, s7;
	(pc) =	sbr.rel .LBB2_1-.Ltmp0, $4  }
0x10: {  	s13 =	simm.s32 $0x2000;
	s9 =	ssub.s32 s9, s10;
	s31 =	sadd.s32 s14, s30  }
0x11: {  	s14 =	simm.s32 $0xC8;
	s29 =	sshrl.u32 s11, $0x3;
	s7 =	sadd.s32 s7, s8  }
0x12: {  	s8 =	smax.u32 s9, $0x1;
	s10 =	sadd.s32 $0x2580, s31;
	s11 =	sshrl.u32 s12, $0x3  }
0x13: {  	s12 =	simm.s32 $0x4;
	s6 =	sadd.s32 s6, s29;
	s9 =	sadd.s32 $0xC80, s7  }
.LBB2_4:
0x14: {  	s22 =	sadd.s32 $0x1, s22  }
0x15: {  	p0 =	sne.s32 s22, s8  }
.Ltmp1:
0x16: {  	_ = 	snop;
	(pc) =	sbr.rel @!p0 .LBB2_5-.Ltmp1, $4  }
0x17: {  	_ = 	snop  }
0x18: {  	_ =	swait.ge [sflag:s21], $0x6400  }
0x19: {  	[sflag:s21] =	ssyncset.done $0x0  }
0x1a: {  	[sflag:s21] =	ssyncadd.s32 $0xFFFF9C00  }
.LBB2_1:
0x1b: {  	[spmem:s11], [sflag:s5] =	dma.local [hbm:s4], $0x400  }
0x1c: {  	_ =	swait.ge [sflag:s12], $0x400  }
0x1d: {  	[sflag:s12] =	ssyncset.done $0x0  }
0x1e: {  	[sflag:s12] =	ssyncadd.s32 $0xFFFFFC00  }
0x1f: {  	[tilespmem:s13], [sflag:$0x4] =	stream.linear.gather [hbm4b:s6+s3], $0x1900, $0x38;
	[tilespmem:$0x10100] =	vst v63  }
0x20: {  	_ =	swait.ge [sflag:s12], $0x1900  }
0x21: {  	[sflag:s12] =	ssyncset.done $0x0  }
0x22: {  	[sflag:s12] =	ssyncadd.s32 $0xFFFFE700  }
0x23: {  	[bflag:$0x0] =	sbarrier.arrive $0xFFFF  }
0x24: {  	[tilespmem:s15], [sflag:$0x1] =	stream.indirect.gather [spmem:s2], $0x80, s13, s14, $0xb8;
	[tilespmem:$0x10100] =	vst v63  }
0x25: {  	_ =	swait.ge [sflag:s16], $0x6400  }
0x26: {  	[sflag:s16] =	ssyncset.done $0x0  }
0x27: {  	[sflag:s16] =	ssyncadd.s32 $0xFFFF9C00  }
0x28: {  	[hbm4b:s7+s3] =	stream.linear.scatter [tilespmem:s15], [sflag:$0x2], $0x6400, $0x38;
	[tilespmem:$0x10100] =	vst v63  }
0x29: {  	_ = 	snop  }
0x2a: {  	[tilespmem:s18], [sflag:$0x1] =	stream.indirect.gather [spmem:s2], $0x80, s17, s14, $0xb8;
	[tilespmem:$0x10100] =	vst v63  }
0x2b: {  	_ =	swait.ge [sflag:s16], $0x6400  }
0x2c: {  	[sflag:s16] =	ssyncset.done $0x0  }
0x2d: {  	[sflag:s16] =	ssyncadd.s32 $0xFFFF9C00  }
0x2e: {  	[hbm4b:s9+s3] =	stream.linear.scatter [tilespmem:s18], [sflag:$0x3], $0x6400, $0x38;
	[tilespmem:$0x10100] =	vst v63  }
0x2f: {  	_ =	swait.ge [sflag:s19], $0x6400  }
0x30: {  	[sflag:s19] =	ssyncset.done $0x0  }
0x31: {  	s23 =	smov.u32 s10;
	s24 =	simm.s32 $0x0;
	[sflag:s19] =	ssyncadd.s32 $0xFFFF9C00  }
0x32: {  	[tilespmem:s15], [sflag:$0x1] =	stream.indirect.gather [spmem:s2], $0x80, s20, s14, $0xb8;
	[tilespmem:$0x10100] =	vst v63  }
.LBB2_2:
0x33: {  	_ =	swait.ge [sflag:s16], $0x6400  }
0x34: {  	[sflag:s16] =	ssyncset.done $0x0  }
0x35: {  	s25 =	sadd.s32 $0xFFFFF380, s23;
	[sflag:s16] =	ssyncadd.s32 $0xFFFF9C00  }
0x36: {  	[hbm4b:s25+s3] =	stream.linear.scatter [tilespmem:s15], [sflag:$0x2], $0x6400, $0x38;
	[tilespmem:$0x10100] =	vst v63  }
0x37: {  	_ =	swait.ge [sflag:s21], $0x6400  }
0x38: {  	s25 =	sshra.s32 s24, $0x2;
	[sflag:s21] =	ssyncset.done $0x0  }
0x39: {  	s26 =	sadd.s32 $0x2258, s25;
	[sflag:s21] =	ssyncadd.s32 $0xFFFF9C00  }
0x3a: {  	[tilespmem:s18], [sflag:$0x1] =	stream.indirect.gather [spmem:s2], $0x80, s26, s14, $0xb8;
	[tilespmem:$0x10100] =	vst v63  }
0x3b: {  	_ =	swait.ge [sflag:s16], $0x6400  }
0x3c: {  	p0 =	seq.s32 s24, $0x5780;
	[sflag:s16] =	ssyncset.done $0x0  }
.Ltmp2:
0x3d: {  	[sflag:s16] =	ssyncadd.s32 $0xFFFF9C00;
	(pc) =	sbr.rel @p0 .LBB2_4-.Ltmp2, $4  }
0x3e: {  	[hbm4b:s23+s3] =	stream.linear.scatter [tilespmem:s18], [sflag:$0x3], $0x6400, $0x38;
	[tilespmem:$0x10100] =	vst v63  }
0x3f: {  	_ =	swait.ge [sflag:s19], $0x6400  }
0x40: {  	[sflag:s19] =	ssyncset.done $0x0  }
0x41: {  	[sflag:s19] =	ssyncadd.s32 $0xFFFF9C00  }
.Ltmp3:
0x42: {  	(pc) =	sbr.rel .LBB2_2-.Ltmp3, $3  }
0x43: {  	_ =	sdelay $0x1  }
0x44: {  	s25 =	sadd.s32 $0x2320, s25;
	s24 =	sadd.s32 $0x640, s24;
	s23 =	sadd.s32 $0x1900, s23  }
0x45: {  	[tilespmem:s15], [sflag:$0x1] =	stream.indirect.gather [spmem:s2], $0x80, s25, s14, $0xb8;
	[tilespmem:$0x10100] =	vst v63  }
.LBB2_5:
0x46: {  	_ =	sfence.sel $0x180000  }
0x47: {  	[bflag:$0x0] =	sbarrier.arrive $0xFFFF  }
0x48: {  	p0 =	sne.s32 s1, $0x0;
	_ =	strace $0x90000047  }
0x49: {  	s0 =	sadd.s32 @!p0 $0x100000, s0;
	[bflag:$0x2] =	sbarrier.arrive $0xFFFF  }
0x4a: {  	[sflag:s0] =	ssyncadd.tile.s32 @!p0 $0x1;
	_ =	shalt  }
.Lfunc_end2:
_tile_overlayer_lowered:
.L_overlay_start_2:
0x4b: {  	(tag) =	ssettag $0x2  }
0x4c: {  	s0 =	rddreg [dreg:$0x0];
	s2 =	stileid.u32  }
0x4d: {  	s1 =	rddreg [dreg:$0x1];
	p0 =	sne.s32 s2, $0x0  }
0x4e: {  	s3 =	rddreg [dreg:$0x2];
	[bflag:$0x3] =	sbarrier.arrive $0xFFFF;
	s2 =	simm.s32 @!p0 $0x1C04  }
0x4f: {  	[timem:s3], [sflag:s2] =	dma.local @!p0 [hbm:s0], s1  }
0x50: {  	s0 =	simm.s32 @!p0 $0x4  }
0x51: {  	_ =	swait.ge @!p0 [sflag:s0], s1  }
0x52: {  	s1 =	ssub.s32 @!p0 $0x0, s1;
	[sflag:s0] =	ssyncset.done @!p0 $0x0  }
0x53: {  	[sflag:s0] =	ssyncadd.s32 @!p0 s1  }
0x54: {  	[bflag:$0x3] =	sbarrier.arrive $0xFFFF  }
0x55: {  	_ =	shalt  }

</sc_bundles>
